<compile_context>
chip_gen: v7x
topology: tpu7x:2x2x1
jax: 0.10.2.dev20260603
libtpu: 0.0.44.dev20260713+nightly
codegen_flags: <defaults>
</compile_context>

<pallas_src>
import functools
import math

import numpy as np
import jax
import jax.numpy as jnp
from jax import lax
from jax.experimental import pallas as pl
from jax.experimental.pallas import tpu as pltpu
from jax.experimental.pallas import tpu_sc as plsc

_TIMESTEPS = 1000


def _make_table():
    T = _TIMESTEPS
    ts = np.linspace(0.0, 1.0, T + 1, dtype=np.float32)
    s = np.float32(0.008)
    abar = np.cos((ts + s) / (1 + s) * np.float32(math.pi / 2)) ** 2
    abar = abar / abar[0]
    alphas_tail = abar[1:T] / abar[0 : T - 1]
    betas_tail = np.clip(1.0 - alphas_tail, 1e-08, 0.999).astype(np.float32)
    betas = np.concatenate([np.zeros((1,), dtype=np.float32), betas_tail])
    alpha_bars = np.cumprod((1.0 - betas).astype(np.float32))
    tab = np.zeros((T, 128), dtype=np.float32)
    tab[:, 0] = np.sqrt(alpha_bars)
    tab[:, 1] = np.sqrt(1.0 - alpha_bars)
    return tab


_TABLE = _make_table()


def _sc_gather(t_idx, tab):
    n = t_idx.shape[0]
    info = plsc.get_sparse_core_info()
    nc, ns, lanes = info.num_cores, info.num_subcores, info.num_lanes
    nw = nc * ns
    per_w = n // nw

    @functools.partial(
        pl.kernel,
        mesh=plsc.VectorSubcoreMesh(core_axis_name="c", subcore_axis_name="s"),
        out_type=jax.ShapeDtypeStruct((n, 128), jnp.float32),
        scratch_types=[
            pltpu.VMEM((per_w,), jnp.int32),
            pltpu.VMEM((per_w, 128), jnp.float32),
            pltpu.SemaphoreType.DMA,
        ],
    )
    def gather_kernel(t_hbm, tab_hbm, out_hbm, idx_v, rows_v, sem):
        wid = lax.axis_index("s") * nc + lax.axis_index("c")
        base = wid * per_w
        pltpu.sync_copy(t_hbm.at[pl.ds(base, per_w)], idx_v)
        for i in range(per_w // lanes):
            sl = pl.ds(i * lanes, lanes)
            idx_v[sl] = jnp.minimum(jnp.maximum(idx_v[sl], 0), _TIMESTEPS - 1)
        pltpu.async_copy(tab_hbm.at[idx_v], rows_v, sem).wait()
        pltpu.sync_copy(rows_v, out_hbm.at[pl.ds(base, per_w)])

    return gather_kernel(t_idx, tab)


def _fma_body(rows_ref, x_ref, n_ref, o_ref, no_ref, s_scr):
    @pl.when(pl.program_id(0) == 0)
    def _init():
        s_scr[...] = jnp.swapaxes(rows_ref[:, 0:2], 0, 1)

    nz = n_ref[...]
    o_ref[...] = s_scr[0:1, :] * x_ref[...] + s_scr[1:2, :] * nz
    no_ref[...] = nz


def _tc_fma(rows, xv, nv):
    d, b = xv.shape
    rr = 1024
    grid = (d // rr,)
    spec_r = pl.BlockSpec((b, 128), lambda i: (0, 0))
    spec_x = pl.BlockSpec((rr, b), lambda i: (i, 0))
    return pl.pallas_call(
        _fma_body,
        grid=grid,
        in_specs=[spec_r, spec_x, spec_x],
        out_specs=[spec_x, spec_x],
        out_shape=[
            jax.ShapeDtypeStruct((d, b), jnp.float32),
            jax.ShapeDtypeStruct((d, b), jnp.float32),
        ],
        scratch_shapes=[pltpu.VMEM((2, b), jnp.float32)],
        compiler_params=pltpu.CompilerParams(
            dimension_semantics=("arbitrary",),
            vmem_limit_bytes=100 * 1024 * 1024,
        ),
    )(rows, xv, nv)


def kernel(x0, t, noise):
    b = x0.shape[0]
    tail = x0.shape[1:]
    d = int(np.prod(tail))
    rows = _sc_gather(t.astype(jnp.int32), jnp.asarray(_TABLE))
    xv = jnp.transpose(x0, (1, 2, 3, 0)).reshape(d, b)
    nv = jnp.transpose(noise, (1, 2, 3, 0)).reshape(d, b)
    xt, nout = _tc_fma(rows, xv, nv)
    xt = jnp.transpose(xt.reshape(tail + (b,)), (3, 0, 1, 2))
    nout = jnp.transpose(nout.reshape(tail + (b,)), (3, 0, 1, 2))
    return xt, nout

# --- scband reference (transcript-rebuilt; emitter-appended) ---
"""Pipeline reference for scband-noise-scheduler-12670153523564 (READ-ONLY COPY).

The authoritative reference and input builder live on the scoring server;
editing this copy changes nothing except your own understanding.
"""

import math
import jax, jax.numpy as jnp
import numpy as np

TIMESTEPS = 1000
SCHEDULE = 'cosine'
BETA_START = 0.0001
BETA_END = 0.02


def _cosine_alpha_bar(t, s=0.008):
    return jnp.cos((t + s) / (1 + s) * math.pi / 2) ** 2


def _make_buffers():
    T = TIMESTEPS
    if SCHEDULE == 'linear':
        betas = jnp.linspace(BETA_START, BETA_END, T, dtype=jnp.float32)
    else:
        ts = jnp.linspace(0.0, 1.0, T + 1, dtype=jnp.float32)
        abar = _cosine_alpha_bar(ts)
        abar = abar / abar[0]
        alphas_tail = abar[1:T] / abar[0:T - 1]
        betas_tail = jnp.clip(1.0 - alphas_tail, 1e-08, 0.999)
        betas = jnp.concatenate([jnp.zeros((1,), dtype=jnp.float32), betas_tail.astype(jnp.float32)])
    alpha_bars = jnp.cumprod(1.0 - betas, axis=0)
    sqrt_alpha_bars = jnp.sqrt(alpha_bars)
    sqrt_one_minus_alpha_bars = jnp.sqrt(1.0 - alpha_bars)
    return sqrt_alpha_bars, sqrt_one_minus_alpha_bars


def setup_inputs(seed: int = 0) -> dict:
    key = jax.random.key(seed)
    k1, k2, k3 = jax.random.split(key, 3)
    x0 = jax.random.normal(k1, (1024, 4, 64, 64), dtype=jnp.float32)
    t = jax.random.randint(k2, (1024,), 0, 1000, dtype=jnp.int64 if jax.config.read('jax_enable_x64') else jnp.int32)
    noise = jax.random.normal(k3, (1024, 4, 64, 64), dtype=jnp.float32)
    return {'x0': x0, 't': t, 'noise': noise}


def reference(x0, t, noise):
    sqrt_ab_buf, sqrt_1_ab_buf = _make_buffers()
    tc = jnp.clip(t, 0, TIMESTEPS - 1).astype(jnp.int32)
    sqrt_ab = jnp.take(sqrt_ab_buf, tc, axis=0).reshape((-1,) + (1,) * (x0.ndim - 1))
    sqrt_1_ab = jnp.take(sqrt_1_ab_buf, tc, axis=0).reshape((-1,) + (1,) * (x0.ndim - 1))
    x_t = sqrt_ab * x0 + sqrt_1_ab * noise
    return (x_t, noise)

if __name__ == "__main__":
    import jax
    _d = setup_inputs()
    print(jax.jit(kernel)(*tuple(_d.values())))

</pallas_src>

<mosaic_0001>
#map = affine_map<(d0, d1) -> (0)>
#map1 = affine_map<(d0, d1) -> (0, 0)>
module attributes {stable_mosaic.version = 14 : i64} {
  func.func @gather_kernel(%arg0: i32, %arg1: i32, %arg2: memref<1024xi32, #tpu.memory_space<hbm>>, %arg3: memref<1000x128xf32, #tpu.memory_space<hbm>>, %arg4: memref<1024x128xf32, #tpu.memory_space<hbm>>, %arg5: memref<32xi32, #tpu.memory_space<vmem>>, %arg6: memref<32x128xf32, #tpu.memory_space<vmem>>, %arg7: memref<!tpu.dma_semaphore, #tpu.memory_space<semaphore_mem>>) attributes {dimension_semantics = [#tpu.dimension_semantics<core_parallel>, #tpu.dimension_semantics<subcore_parallel>], iteration_bounds = array<i64: 2, 16>, scalar_prefetch = 0 : i64, scratch_operands = 3 : i64, tpu.core_type = #tpu.core_type<sc_vector_subcore>, window_params = [{transform_indices = #map}, {transform_indices = #map1}, {transform_indices = #map1}]} {
    %mul3A = arith.constant 2 : i32
    %mul3A_0 = arith.muli %arg1, %mul3A : i32
    %add3A = arith.addi %mul3A_0, %arg0 : i32
    %mul3A_1 = arith.constant 32 : i32
    %mul3A_2 = arith.muli %add3A, %mul3A_1 : i32
    "tpu.region"() ({
      %run_scoped3A = tpu.sem_alloc : memref<!tpu.dma_semaphore, #tpu.memory_space<semaphore_mem>>
      %dma_start3A_29 = tpu.memref_slice %arg2[%mul3A_2] : memref<1024xi32, #tpu.memory_space<hbm>> -> memref<32xi32, #tpu.memory_space<hbm>>
      %dma_start3A_30 = tpu.memref_slice %arg2[%mul3A_2] : memref<1024xi32, #tpu.memory_space<hbm>> -> memref<32xi32, #tpu.memory_space<hbm>>
      tpu.enqueue_dma source(%dma_start3A_30 : memref<32xi32, #tpu.memory_space<hbm>>) target(%arg5 : memref<32xi32, #tpu.memory_space<vmem>>) target_semaphore(%run_scoped3A : memref<!tpu.dma_semaphore, #tpu.memory_space<semaphore_mem>>)
      %dma_wait3A_31 = tpu.memref_slice %arg2[%mul3A_2] : memref<1024xi32, #tpu.memory_space<hbm>> -> memref<32xi32, #tpu.memory_space<hbm>>
      %dma_wait3A_32 = tpu.memref_slice %arg2[%mul3A_2] : memref<1024xi32, #tpu.memory_space<hbm>> -> memref<32xi32, #tpu.memory_space<hbm>>
      tpu.wait_dma2 semaphore(%run_scoped3A : memref<!tpu.dma_semaphore, #tpu.memory_space<semaphore_mem>>) src(%dma_wait3A_32 : memref<32xi32, #tpu.memory_space<hbm>>) dst(%arg5 : memref<32xi32, #tpu.memory_space<vmem>>)
      tpu.yield
    }) : () -> ()
    %get3A = arith.constant 0 : index
    %get3A_3 = tpu.vector_load %arg5[%get3A] {strides = array<i32>} : memref<32xi32, #tpu.memory_space<vmem>>, vector<16xi32>,
    %get3A_4 = vector.shape_cast %get3A_3 : vector<16xi32> to vector<16xi32>
    %max3A = arith.constant 0 : i32
    %max3A_5 = vector.broadcast %max3A : i32 to vector<16xi32>
    %max3A_6 = arith.maxsi %get3A_4, %max3A_5 : vector<16xi32>
    %min3A = arith.constant 999 : i32
    %min3A_7 = vector.broadcast %min3A : i32 to vector<16xi32>
    %min3A_8 = arith.minsi %max3A_6, %min3A_7 : vector<16xi32>
    %swap3A = arith.constant 0 : index
    %swap3A_9 = tpu.vector_load %arg5[%swap3A] {strides = array<i32>} : memref<32xi32, #tpu.memory_space<vmem>>, vector<16xi32>,
    %swap3A_10 = vector.shape_cast %swap3A_9 : vector<16xi32> to vector<16xi32>
    %swap3A_11 = vector.shape_cast %min3A_8 : vector<16xi32> to vector<16xi32>
    tpu.vector_store %arg5[%swap3A], %swap3A_11 {strides = array<i32>} : memref<32xi32, #tpu.memory_space<vmem>>, vector<16xi32>,
    %get3A_12 = arith.constant 16 : index
    %get3A_13 = tpu.vector_load %arg5[%get3A_12] {strides = array<i32>} : memref<32xi32, #tpu.memory_space<vmem>>, vector<16xi32>,
    %get3A_14 = vector.shape_cast %get3A_13 : vector<16xi32> to vector<16xi32>
    %max3A_15 = arith.constant 0 : i32
    %max3A_16 = vector.broadcast %max3A_15 : i32 to vector<16xi32>
    %max3A_17 = arith.maxsi %get3A_14, %max3A_16 : vector<16xi32>
    %min3A_18 = arith.constant 999 : i32
    %min3A_19 = vector.broadcast %min3A_18 : i32 to vector<16xi32>
    %min3A_20 = arith.minsi %max3A_17, %min3A_19 : vector<16xi32>
    %swap3A_21 = arith.constant 16 : index
    %swap3A_22 = tpu.vector_load %arg5[%swap3A_21] {strides = array<i32>} : memref<32xi32, #tpu.memory_space<vmem>>, vector<16xi32>,
    %swap3A_23 = vector.shape_cast %swap3A_22 : vector<16xi32> to vector<16xi32>
    %swap3A_24 = vector.shape_cast %min3A_20 : vector<16xi32> to vector<16xi32>
    tpu.vector_store %arg5[%swap3A_21], %swap3A_24 {strides = array<i32>} : memref<32xi32, #tpu.memory_space<vmem>>, vector<16xi32>,
    %dma_start3A = arith.constant 0 : i32
    %dma_start3A_25 = arith.constant 0 : i32
    %dma_start3A_26 = tpu.memref_slice %arg3[%dma_start3A, %dma_start3A_25] : memref<1000x128xf32, #tpu.memory_space<hbm>> -> memref<1000x128xf32, #tpu.memory_space<hbm>>
    tpu.enqueue_indirect_dma source(%dma_start3A_26 : memref<1000x128xf32, #tpu.memory_space<hbm>>) target(%arg6 : memref<32x128xf32, #tpu.memory_space<vmem>>) offsets(%arg5 : memref<32xi32, #tpu.memory_space<vmem>>) semaphore(%arg7 : memref<!tpu.dma_semaphore, #tpu.memory_space<semaphore_mem>>)
    %dma_wait3A = arith.constant 0 : i32
    %dma_wait3A_27 = arith.constant 0 : i32
    %dma_wait3A_28 = tpu.memref_slice %arg3[%dma_wait3A, %dma_wait3A_27] : memref<1000x128xf32, #tpu.memory_space<hbm>> -> memref<1000x128xf32, #tpu.memory_space<hbm>>
    tpu.wait_indirect_dma semaphore(%arg7 : memref<!tpu.dma_semaphore, #tpu.memory_space<semaphore_mem>>) src(%dma_wait3A_28 : memref<1000x128xf32, #tpu.memory_space<hbm>>) dst(%arg6 : memref<32x128xf32, #tpu.memory_space<vmem>>)
    "tpu.region"() ({
      %run_scoped3A = tpu.sem_alloc : memref<!tpu.dma_semaphore, #tpu.memory_space<semaphore_mem>>
      %dma_start3A_29 = arith.constant 0 : i32
      %dma_start3A_30 = tpu.memref_slice %arg4[%mul3A_2, %dma_start3A_29] : memref<1024x128xf32, #tpu.memory_space<hbm>> -> memref<32x128xf32, #tpu.memory_space<hbm>>
      %dma_start3A_31 = arith.constant 0 : i32
      %dma_start3A_32 = tpu.memref_slice %arg4[%mul3A_2, %dma_start3A_31] : memref<1024x128xf32, #tpu.memory_space<hbm>> -> memref<32x128xf32, #tpu.memory_space<hbm>>
      tpu.enqueue_dma source(%arg6 : memref<32x128xf32, #tpu.memory_space<vmem>>) target(%dma_start3A_32 : memref<32x128xf32, #tpu.memory_space<hbm>>) target_semaphore(%run_scoped3A : memref<!tpu.dma_semaphore, #tpu.memory_space<semaphore_mem>>)
      %dma_wait3A_33 = arith.constant 0 : i32
      %dma_wait3A_34 = tpu.memref_slice %arg4[%mul3A_2, %dma_wait3A_33] : memref<1024x128xf32, #tpu.memory_space<hbm>> -> memref<32x128xf32, #tpu.memory_space<hbm>>
      %dma_wait3A_35 = arith.constant 0 : i32
      %dma_wait3A_36 = tpu.memref_slice %arg4[%mul3A_2, %dma_wait3A_35] : memref<1024x128xf32, #tpu.memory_space<hbm>> -> memref<32x128xf32, #tpu.memory_space<hbm>>
      tpu.wait_dma2 semaphore(%run_scoped3A : memref<!tpu.dma_semaphore, #tpu.memory_space<semaphore_mem>>) src(%arg6 : memref<32x128xf32, #tpu.memory_space<vmem>>) dst(%dma_wait3A_36 : memref<32x128xf32, #tpu.memory_space<hbm>>)
      tpu.yield
    }) : () -> ()
    return
  }
}

module attributes {stable_mosaic.version = 14 : i64} {
  func.func @_fma_body(%arg0: i32, %arg1: memref<1024x128xf32, #tpu.memory_space<vmem>>, %arg2: memref<1024x1024xf32, #tpu.memory_space<vmem>>, %arg3: memref<1024x1024xf32, #tpu.memory_space<vmem>>, %arg4: memref<1024x1024xf32, #tpu.memory_space<vmem>>, %arg5: memref<1024x1024xf32, #tpu.memory_space<vmem>>, %arg6: memref<2x1024xf32, #tpu.memory_space<vmem>>) attributes {dimension_semantics = [#tpu.dimension_semantics<arbitrary>], iteration_bounds = array<i64: 16>, scalar_prefetch = 0 : i64, scratch_operands = 1 : i64, tpu.core_type = #tpu.core_type<tc>, window_params = [{pipeline_mode = #tpu.pipeline_mode<synchronous>, transform_indices = @transform_0, window_bounds = array<i64: 1024, 128>}, {transform_indices = @transform_1, window_bounds = array<i64: 1024, 1024>}, {transform_indices = @transform_2, window_bounds = array<i64: 1024, 1024>}, {transform_indices = @transform_3, window_bounds = array<i64: 1024, 1024>}, {transform_indices = @transform_4, window_bounds = array<i64: 1024, 1024>}]} {
    %eq3A = arith.constant 0 : i32
    %eq3A_0 = arith.cmpi eq, %arg0, %eq3A : i32
    %convert_element_type3A = arith.extui %eq3A_0 : i1 to i32
    %cond3A = arith.constant 0 : i32
    %cond3A_1 = arith.cmpi ne, %convert_element_type3A, %cond3A : i32
    scf.if %cond3A_1 {
      %get3A_21 = arith.constant 0 : index
      %get3A_22 = arith.constant 0 : index
      %get3A_23 = vector.load %arg1[%get3A_21, %get3A_22] : memref<1024x128xf32, #tpu.memory_space<vmem>>, vector<1024x2xf32>
      %transpose3A = tpu.transpose %get3A_23, [1, 0] : vector<1024x2xf32> -> vector<2x1024xf32>
      %swap3A_24 = arith.constant 0 : index
      %swap3A_25 = arith.constant 0 : index
      %swap3A_26 = vector.load %arg6[%swap3A_24, %swap3A_25] : memref<2x1024xf32, #tpu.memory_space<vmem>>, vector<2x1024xf32>
      tpu.vector_store %arg6[%swap3A_24, %swap3A_25], %transpose3A {strides = array<i32>} : memref<2x1024xf32, #tpu.memory_space<vmem>>, vector<2x1024xf32>,
    } else {
    }
    %get3A = arith.constant 0 : index
    %get3A_2 = arith.constant 0 : index
    %get3A_3 = vector.load %arg3[%get3A, %get3A_2] : memref<1024x1024xf32, #tpu.memory_space<vmem>>, vector<1024x1024xf32>
    %get3A_4 = arith.constant 0 : index
    %get3A_5 = arith.constant 0 : index
    %get3A_6 = vector.load %arg6[%get3A_4, %get3A_5] : memref<2x1024xf32, #tpu.memory_space<vmem>>, vector<1x1024xf32>
    %get3A_7 = arith.constant 0 : index
    %get3A_8 = arith.constant 0 : index
    %get3A_9 = vector.load %arg2[%get3A_7, %get3A_8] : memref<1024x1024xf32, #tpu.memory_space<vmem>>, vector<1024x1024xf32>
    %mul3A = vector.broadcast %get3A_6 : vector<1x1024xf32> to vector<1024x1024xf32>
    %mul3A_10 = arith.mulf %mul3A, %get3A_9 : vector<1024x1024xf32>
    %get3A_11 = arith.constant 1 : index
    %get3A_12 = arith.constant 0 : index
    %get3A_13 = vector.load %arg6[%get3A_11, %get3A_12] : memref<2x1024xf32, #tpu.memory_space<vmem>>, vector<1x1024xf32>
    %mul3A_14 = vector.broadcast %get3A_13 : vector<1x1024xf32> to vector<1024x1024xf32>
    %mul3A_15 = arith.mulf %mul3A_14, %get3A_3 : vector<1024x1024xf32>
    %add3A = arith.addf %mul3A_10, %mul3A_15 : vector<1024x1024xf32>
    %swap3A = arith.constant 0 : index
    %swap3A_16 = arith.constant 0 : index
    %swap3A_17 = vector.load %arg4[%swap3A, %swap3A_16] : memref<1024x1024xf32, #tpu.memory_space<vmem>>, vector<1024x1024xf32>
    tpu.vector_store %arg4[%swap3A, %swap3A_16], %add3A {strides = array<i32>} : memref<1024x1024xf32, #tpu.memory_space<vmem>>, vector<1024x1024xf32>,
    %swap3A_18 = arith.constant 0 : index
    %swap3A_19 = arith.constant 0 : index
    %swap3A_20 = vector.load %arg5[%swap3A_18, %swap3A_19] : memref<1024x1024xf32, #tpu.memory_space<vmem>>, vector<1024x1024xf32>
    tpu.vector_store %arg5[%swap3A_18, %swap3A_19], %get3A_3 {strides = array<i32>} : memref<1024x1024xf32, #tpu.memory_space<vmem>>, vector<1024x1024xf32>,
    return
  }
  func.func @transform_0(%arg0: i32) -> (i32, i32) {
    %c0_i32 = arith.constant 0 : i32
    %c0_i32_0 = arith.constant 0 : i32
    %c0_i32_1 = arith.constant 0 : i32
    return %c0_i32, %c0_i32_0 : i32, i32
  }
  func.func @transform_1(%arg0: i32) -> (i32, i32) {
    %c0_i32 = arith.constant 0 : i32
    %c0_i32_0 = arith.constant 0 : i32
    return %arg0, %c0_i32 : i32, i32
  }
  func.func @transform_2(%arg0: i32) -> (i32, i32) {
    %c0_i32 = arith.constant 0 : i32
    %c0_i32_0 = arith.constant 0 : i32
    return %arg0, %c0_i32 : i32, i32
  }
  func.func @transform_3(%arg0: i32) -> (i32, i32) {
    %c0_i32 = arith.constant 0 : i32
    %c0_i32_0 = arith.constant 0 : i32
    return %arg0, %c0_i32 : i32, i32
  }
  func.func @transform_4(%arg0: i32) -> (i32, i32) {
    %c0_i32 = arith.constant 0 : i32
    %c0_i32_0 = arith.constant 0 : i32
    return %arg0, %c0_i32 : i32, i32
  }
}

</mosaic_0001>

<sc_bundles>
// kernel: kernel.4.cloned.1.call-start
scs
__scs_entry_jumppad:
0x0: {  	(pc) =	sbr.rel $0x88, $3  }
0x1: {  	(tag) =	ssettag $0x0;
	lr =	simm.s32 $0x1  }
0x2: {  	[smem:$0x3F9E] =	sst lr;
	_ =	strace $0xD0000000  }
0x3: {  	_ = 	snop  }
0x4: {  	_ = 	snop  }
0x5: {  	_ = 	snop  }
0x6: {  	_ = 	snop  }
0x7: {  	_ = 	snop  }
__scs_overlays_trampoline_lowered:
0x8: {  	[smem:$0x3FAD] =	sst s0  }
0x9: {  	[smem:$0x3FAE] =	sst s1  }
0xa: {  	[smem:$0x3FAF] =	sst s2  }
0xb: {  	[smem:$0x3FB0] =	sst s3  }
0xc: {  	[smem:$0x3FB1] =	sst s4  }
0xd: {  	[smem:$0x3FB2] =	sst s5  }
0xe: {  	[smem:$0x3FB3] =	sst s6  }
0xf: {  	[smem:$0x3FB4] =	sst s7  }
0x10: {  	[smem:$0x3FB5] =	sst s8  }
0x11: {  	[smem:$0x3FB6] =	sst s9;
	s0 =	simm.s32 @!p0 $0x0  }
0x12: {  	s1 =	sld [smem:$0x3F9C];
	s0 =	simm.s32 @p0 $0x1  }
0x13: {  	[smem:$0x3FB7] =	sst s0;
	s0 =	simm.s32 @!p1 $0x0  }
0x14: {  	s2 =	sld [smem:$0x3F9B];
	s0 =	simm.s32 @p1 $0x1  }
0x15: {  	[smem:$0x3FB8] =	sst s0;
	s0 =	simm.s32 @!p2 $0x0  }
0x16: {  	s3 =	sld [smem:$0x3FDB];
	s0 =	simm.s32 @p2 $0x1  }
0x17: {  	s4 =	simm.s32 $0x1BF5;
	[smem:$0x3FBA] =	sst s0  }
0x18: {  	s0 =	sld [smem:$0x3F9D];
	_ =	swait.ge [sflag:s4], $0x0  }
0x19: {  	s7 =	sld [smem:$0x3F9E]  }
0x1a: {  	s8 =	sadd.s32 $0xFFFFE003, lr  }
0x1b: {  	s9 =	sadd.s32 $0xFFFFFEF7, lr;
	s5 =	simm.s32 $0xFFFFFFFF;
	p2 =	slt.u32 s8, $0xFFFFF086  }
0x1c: {  	p1 =	slt.u32 s9, $0xF7A;
	s5 =	simm.s32 @!p2 $0x0  }
0x1d: {  	s5 =	simm.s32 @p1 $0x1;
	p0 =	seq.s32 s7, s2  }
0x1e: {  	s7 =	smul.u32 @!p0 $0xF7A, s2;
	p2 =	seq.s32 @!p0 s5, $0x0  }
0x1f: {  	s9 =	smul.u32 $0xF7A, s1;
	s8 =	simm.s32 @!p0 $0x1BF5;
	p2 =	por !p2, p0  }
0x20: {  	[sflag:s8] =	ssyncset.s32 @!p0 $0xFFFFF086;
	s6 =	sadd.s32 @!p0 s3, s7;
	s7 =	simm.s32 @!p0 $0x108  }
0x21: {  	s3 =	sadd.s32 s3, s9;
	s6 =	sadd.s32 @!p0 $0x88, s6;
	s7 =	simm.s32 @p2 $0x1082  }
0x22: {  	[simem:s7], [sflag:s8] =	dma.local @!p0 [hbm:s6], $0xF7A  }
0x23: {  	s9 =	sor.u32 $0xD0000000, s2;
	s6 =	simm.s32 $0x108;
	_ =	swait.ge @!p0 [sflag:s8], $0x0  }
0x24: {  	s3 =	sadd.s32 $0x88, s3;
	s6 =	simm.s32 @!p1 $0x1082;
	[sflag:s4] =	ssyncset.s32 $0xFFFFF086  }
0x25: {  	[simem:s6], [sflag:s4] =	dma.local [hbm:s3], $0xF7A  }
0x26: {  	[smem:$0x3F9E] =	sst s1;
	(tag) =	ssettag s2;
	_ =	strace s9  }
0x27: {  	s1 =	sld [smem:$0x3FAE]  }
0x28: {  	s2 =	sld [smem:$0x3FAF]  }
0x29: {  	s4 =	sld [smem:$0x3FB1]  }
0x2a: {  	p0 =	seq.s32 s5, $0x0;
	s5 =	sld [smem:$0x3FB2]  }
0x2b: {  	s6 =	sld [smem:$0x3FB3]  }
0x2c: {  	s7 =	sld [smem:$0x3FB4]  }
0x2d: {  	s3 =	simm.s32 $0x108;
	s8 =	sld [smem:$0x3FB5]  }
0x2e: {  	s3 =	simm.s32 @!p0 $0x1082;
	s9 =	sld [smem:$0x3FB6]  }
0x2f: {  	lr =	sadd.s32 s0, s3;
	s0 =	sld [smem:$0x3FAD]  }
0x30: {  	s3 =	sld [smem:$0x3FB0]  }
0x31: {  	[smem:$0x3FB9] =	sst s10  }
0x32: {  	s10 =	sld [smem:$0x3FB7];
	_ =	sdelay $0x3  }
0x33: {  	p0 =	seq.s32 s10, $0x1;
	s10 =	sld [smem:$0x3FB9];
	_ =	sdelay $0x3  }
0x34: {  	[smem:$0x3FB9] =	sst s10  }
0x35: {  	s10 =	sld [smem:$0x3FB8];
	_ =	sdelay $0x3  }
0x36: {  	p1 =	seq.s32 s10, $0x1;
	s10 =	sld [smem:$0x3FB9];
	_ =	sdelay $0x3  }
0x37: {  	[smem:$0x3FB9] =	sst s10  }
0x38: {  	s10 =	sld [smem:$0x3FBA]  }
0x39: {  	_ = 	snop;
	(pc) =	sbr.ind lr, $3  }
0x3a: {  	_ = 	snop  }
0x3b: {  	_ = 	snop  }
0x3c: {  	p2 =	seq.s32 s10, $0x1;
	s10 =	sld [smem:$0x3FB9]  }
0x3d: {  	_ =	shalt  }
0x3e: {  	_ =	shalt  }
0x3f: {  	_ =	shalt  }
0x40: {  	_ =	shalt  }
0x41: {  	_ =	shalt  }
0x42: {  	_ =	shalt  }
0x43: {  	_ =	shalt  }
0x44: {  	_ =	shalt  }
0x45: {  	_ =	shalt  }
0x46: {  	_ =	shalt  }
0x47: {  	_ =	shalt  }
0x48: {  	_ =	shalt  }
0x49: {  	_ =	shalt  }
0x4a: {  	_ =	shalt  }
0x4b: {  	_ =	shalt  }
0x4c: {  	_ =	shalt  }
0x4d: {  	_ =	shalt  }
0x4e: {  	_ =	shalt  }
0x4f: {  	_ =	shalt  }
0x50: {  	_ =	shalt  }
0x51: {  	_ =	shalt  }
0x52: {  	_ =	shalt  }
0x53: {  	_ =	shalt  }
0x54: {  	_ =	shalt  }
0x55: {  	_ =	shalt  }
0x56: {  	_ =	shalt  }
0x57: {  	_ =	shalt  }
0x58: {  	_ =	shalt  }
0x59: {  	_ =	shalt  }
0x5a: {  	_ =	shalt  }
0x5b: {  	_ =	shalt  }
0x5c: {  	_ =	shalt  }
0x5d: {  	_ =	shalt  }
0x5e: {  	_ =	shalt  }
0x5f: {  	_ =	shalt  }
0x60: {  	_ =	shalt  }
0x61: {  	_ =	shalt  }
0x62: {  	_ =	shalt  }
0x63: {  	_ =	shalt  }
0x64: {  	_ =	shalt  }
0x65: {  	_ =	shalt  }
0x66: {  	_ =	shalt  }
0x67: {  	_ =	shalt  }
0x68: {  	_ =	shalt  }
0x69: {  	_ =	shalt  }
0x6a: {  	_ =	shalt  }
0x6b: {  	_ =	shalt  }
0x6c: {  	_ =	shalt  }
0x6d: {  	_ =	shalt  }
0x6e: {  	_ =	shalt  }
0x6f: {  	_ =	shalt  }
0x70: {  	_ =	shalt  }
0x71: {  	_ =	shalt  }
0x72: {  	_ =	shalt  }
0x73: {  	_ =	shalt  }
0x74: {  	_ =	shalt  }
0x75: {  	_ =	shalt  }
0x76: {  	_ =	shalt  }
0x77: {  	_ =	shalt  }
0x78: {  	_ =	shalt  }
0x79: {  	_ =	shalt  }
0x7a: {  	_ =	shalt  }
0x7b: {  	_ =	shalt  }
0x7c: {  	_ =	shalt  }
0x7d: {  	_ =	shalt  }
0x7e: {  	_ =	shalt  }
0x7f: {  	_ =	shalt  }
0x80: {  	_ =	shalt  }
0x81: {  	_ =	shalt  }
0x82: {  	_ =	shalt  }
0x83: {  	_ =	shalt  }
0x84: {  	_ =	shalt  }
0x85: {  	_ =	shalt  }
0x86: {  	_ =	shalt  }
0x87: {  	_ =	shalt  }
.Lfunc_end0:
.L_simem_size_0:
called_computation_lowered:
.L_overlay_start_0:
0x88: {  	s2 =	sld [smem:$0x3FD9]  }
0x89: {  	s3 =	sld [smem:$0x3FFE];
	_ =	sdelay $0x1  }
0x8a: {  	s1 =	srdreg.scid  }
0x8b: {  	s0 =	sand.u32 $0x1, s1  }
0x8c: {  	s14 =	sshll.u32 s0, $0xA;
	s2 =	sadd.s32 s3, s2  }
0x8d: {  	s2 =	sadd.s32 s2, s14  }
0x8e: {  	[smem:$0x3FC5] =	sst s2  }
0x8f: {  	_ = 	snop  }
0x90: {  	s2 =	sld [smem:$0x3FD0];
	_ =	sdelay $0x2  }
0x91: {  	s4 =	simm.s32 $0xA;
	s5 =	simm.s32 $0x10;
	s15 =	sld [smem:$0x3FC8]  }
0x92: {  	[smem:s5], [sflag:s4] =	dma.local [hbm:s2], $0x1  }
0x93: {  	_ =	swait.eq [sflag:s4], $0x1  }
0x94: {  	[sflag:s4] =	ssyncset.done $0x0  }
0x95: {  	[sflag:s4] =	ssyncadd.s32 $0xFFFFFFFF  }
0x96: {  	s16 =	sld [smem:$0x11];
	(tm) =	ssettm $0x1  }
0x97: {  	s17 =	sld [smem:$0x3FFB];
	_ =	sdelay $0x3  }
0x98: {  	_ =	strace s17  }
0x99: {  	s4 =	sld [smem:$0x3FFC];
	_ =	sdelay $0x3  }
0x9a: {  	_ =	strace s4  }
0x9b: {  	s4 =	sld [smem:$0x3FFD];
	_ =	sdelay $0x3  }
0x9c: {  	_ =	strace s4  }
0x9d: {  	_ =	strace $0x8FFFFFFF  }
0x9e: {  	s18 =	sld [smem:$0x3FDB];
	_ =	sdelay $0x1  }
0x9f: {  	s19 =	simm.s32 $_scs_section_size  }
0xa0: {  	s6 =	simm.s32 $_size__tile_overlayer_lowered;
	s7 =	simm.s32 $_tile_overlayer_lowered  }
0xa1: {  	s22 =	simm.s32 $0x1BFF;
	s21 =	sshll.u32 s7, $0x1;
	s4 =	sadd.s32 s19, s18  }
0xa2: {  	s8 =	simm.s32 $0x0;
	s20 =	sshll.u32 s6, $0x1;
	s6 =	sadd.s32 s21, s4  }
0xa3: {  	[timem:s8], [sflag:s22] =	dma.local [hbm:s6], s20  }
0xa4: {  	_ =	swait.ge [sflag:s22], s20  }
0xa5: {  	s5 =	ssub.s32 $0x0, s20;
	[sflag:s22] =	ssyncset.done $0x0  }
0xa6: {  	[sflag:s22] =	ssyncadd.s32 s5;
	_ =	sdelay $0x1  }
0xa7: {  	s23 =	simm.s32 $0x1B8B  }
0xa8: {  	_ =	swait.ge [sflag:s23], $0x1  }
0xa9: {  	[sflag:s23] =	ssyncset.done $0x0  }
0xaa: {  	s25 =	simm.s32 $0x1B8E;
	s24 =	sld [smem:$0x3FFE];
	[sflag:s23] =	ssyncadd.s32 $0xFFFFFFFF  }
0xab: {  	s26 =	simm.s32 $execute0_lowered;
	[smem:$0x3FD2] =	sst s25  }
0xac: {  	s6 =	sshll.u32 s26, $0x1;
	_ =	strace $0x80000046;
	[dreg:$0x1] =	wrdreg $0xFFFFFFFF  }
0xad: {  	s28 =	simm.s32 $_size_execute0_lowered;
	s4 =	sadd.s32 s4, s6;
	[dreg:$0x0] =	wrdreg $0x0  }
0xae: {  	s6 =	sshll.u32 s28, $0x1;
	[dreg:$0x2] =	wrdreg s4  }
0xaf: {  	[dreg:$0x3] =	wrdreg s6  }
0xb0: {  	[dreg:$0x4] =	wrdreg $0xC0  }
0xb1: {  	_ =	task [dreg:s8], $0x5FFFF  }
0xb2: {  	[dreg:$0x1] =	wrdreg $0xFFFFFFFF  }
0xb3: {  	[dreg:$0x0] =	wrdreg $0x60  }
0xb4: {  	[dreg:$0x2] =	wrdreg s15  }
0xb5: {  	[dreg:$0x3] =	wrdreg s16  }
0xb6: {  	[dreg:$0x4] =	wrdreg s24  }
0xb7: {  	[dreg:$0x5] =	wrdreg $0x9  }
0xb8: {  	_ =	task.clear_ibuf [dreg:s8], $0x6FFFF;
	_ =	strace $0x90000046  }
0xb9: {  	s29 =	simm.s32 $0x9;
	_ =	strace $0x80000048  }
0xba: {  	_ =	swait.ge [sflag:s29], $0x1  }
0xbb: {  	[sflag:s29] =	ssyncadd.s32 $0xFFFFFFFF  }
0xbc: {  	_ =	strace $0x90000048  }
0xbd: {  	_ =	sfence  }
0xbe: {  	s30 =	sld [smem:$0x0];
	_ =	sdelay $0x2  }
0xbf: {  	s31 =	sshll.u32 s1, $0xD;
	s1 =	sshrl.u32 s1, $0x2  }
0xc0: {  	s3 =	sand.u32 $0x4000, s31;
	s1 =	sadd.s32 s1, s30  }
0xc1: {  	s0 =	sor.u32 s3, s0;
	s1 =	sshll.u32 s1, $0x11  }
0xc2: {  	s0 =	sor.u32 s1, s0  }
0xc3: {  	s0 =	sadd.s32 $0x8F2B, s0  }
0xc4: {  	[sflag:s0] =	ssyncadd.remote.s32 $0x1  }
0xc5: {  	_ =	sfence.sel $0xFFFF  }
0xc6: {  	[dreg:$0x0] =	wrdreg $0xFFFFFFFF;
	(pc) =	sbr.abs _section_cstart, $3  }
0xc7: {  	[dreg:$0x1] =	wrdreg $0xFFFFFFFF  }
0xc8: {  	_ =	task.clear_ibuf [dreg:s8], $0x2FFFF;
	_ =	strace $0x9FFFFFFF  }
0xc9: {  	(tm) =	ssettm $0x7FFFFFFF  }
tec
execute0_lowered:
.L_overlay_start_1:
0x0: {  	(tag) =	ssettag $0x1  }
0x1: {  	s4 =	rddreg [dreg:$0x0];
	s1 =	srdreg.scid  }
0x2: {  	s2 =	rddreg [dreg:$0x1];
	s0 =	stileid.u32;
	s6 =	sand.u32 $0x1, s1  }
0x3: {  	s9 =	rddreg [dreg:$0x2];
	s5 =	sshll.u32 s0, $0x6;
	s7 =	sshll.u32 s6, $0x5  }
0x4: {  	s3 =	simm.s32 $0x0;
	s1 =	rddreg [dreg:$0x3];
	s10 =	sor.u32 s7, s5  }
0x5: {  	[smem:$0x7FF] =	sst s3;
	s5 =	sshrl.u32 s10, $0x3  }
0x6: {  	_ =	strace $0x80000047;
	s5 =	sadd.s32 s4, s5;
	s4 =	simm.s32 $0x2  }
0x7: {  	[tilespmem:s3], [sflag:$0x2] =	stream.linear.gather [hbm4b:s5+s3], $0x20, $0x38;
	[tilespmem:$0x1080] =	vst v63  }
0x8: {  	_ =	swait.ge [sflag:s4], $0x20  }
0x9: {  	[sflag:s4] =	ssyncset.done $0x0  }
0xa: {  	[sflag:s4] =	ssyncadd.s32 $0xFFFFFFE0  }
0xb: {  	v0 =	vld [tilespmem:$0x0]  }
0xc: {  	v1 =	vld [tilespmem:$0x10];
	_ =	sdelay $0x3  }
0xd: {  	s11 =	ssub.s32 $0x2, s6;
	vm0 =	vgt.s32 v0, $0x0  }
0xe: {  	s12 =	sshrl.u32 s11, $0x1;
	vm15 =	vgt.s32 v1, $0x0;
	v0 =	vnsel vm0, $0x0, v0  }
0xf: {  	s10 =	sshll.u32 s10, $0x4;
	s31 =	ssub.s32 s11, s12;
	v1 =	vnsel vm15, $0x0, v1;
	v0 =	vmin.u32 v0, $0x3E7  }
0x10: {  	s8 =	simm.s32 $0x1;
	s9 =	sadd.s32 s10, s9;
	s10 =	smax.u32 s31, $0x1;
	v63 =	vmin.u32 v1, $0x3E7;
	[tilespmem:$0x0] =	vst v0  }
0x11: {  	s6 =	simm.s32 $0x20;
	s7 =	simm.s32 $0x80;
	p0 =	sne.s32 s10, $0x1;
	[tilespmem:$0x10] =	vst v63  }
0x12: {  	[tilespmem:s7], [sflag:$0x1] =	stream.indirect.gather [hbm4b:s2+s6], $0x80, s3, s6, $0xb8;
	[tilespmem:$0x1080] =	vst v63  }
.Ltmp0:
0x13: {  	_ =	swait.ge [sflag:s8], $0x1000;
	(pc) =	sbr.rel @!p0 .LBB2_2-.Ltmp0, $4  }
0x14: {  	[sflag:s8] =	ssyncset.done $0x0  }
0x15: {  	s9 =	sadd.s32 $0x600, s9;
	[sflag:s8] =	ssyncadd.s32 $0xFFFFF000  }
0x16: {  	[hbm4b:s9+s3] =	stream.linear.scatter [tilespmem:s7], [sflag:$0x2], $0x1000, $0x38;
	[tilespmem:$0x1080] =	vst v63  }
0x17: {  	s10 =	sadd.s32 $0xFFFFFFFF, s10;
	_ =	swait.ge [sflag:s4], $0x1000  }
.LBB2_1:
0x18: {  	p0 =	sne.s32 s10, $0x1;
	s10 =	sadd.s32 $0xFFFFFFFF, s10;
	[sflag:s4] =	ssyncset.done $0x0  }
0x19: {  	[sflag:s4] =	ssyncadd.s32 $0xFFFFF000  }
0x1a: {  	[tilespmem:s3], [sflag:$0x2] =	stream.linear.gather [hbm4b:s5+s3], $0x20, $0x38;
	[tilespmem:$0x1080] =	vst v63  }
0x1b: {  	_ =	swait.ge [sflag:s4], $0x20  }
0x1c: {  	[sflag:s4] =	ssyncset.done $0x0  }
0x1d: {  	[sflag:s4] =	ssyncadd.s32 $0xFFFFFFE0  }
0x1e: {  	v0 =	vld [tilespmem:$0x0]  }
0x1f: {  	v1 =	vld [tilespmem:$0x10];
	_ =	sdelay $0x3  }
0x20: {  	vm0 =	vgt.s32 v0, $0x0  }
0x21: {  	v0 =	vnsel vm0, $0x0, v0;
	vm0 =	vgt.s32 v1, $0x0  }
0x22: {  	v0 =	vmin.u32 v0, $0x3E7;
	v1 =	vnsel vm0, $0x0, v1  }
0x23: {  	[tilespmem:$0x0] =	vst v0;
	v0 =	vmin.u32 v1, $0x3E7  }
0x24: {  	[tilespmem:$0x10] =	vst v0  }
0x25: {  	[tilespmem:s7], [sflag:$0x1] =	stream.indirect.gather [hbm4b:s2+s6], $0x80, s3, s6, $0xb8;
	[tilespmem:$0x1080] =	vst v63  }
.Ltmp1:
0x26: {  	_ =	swait.ge [sflag:s8], $0x1000;
	(pc) =	sbr.rel @p0 .LBB2_1-.Ltmp1, $4  }
0x27: {  	[sflag:s8] =	ssyncset.done $0x0  }
0x28: {  	[sflag:s8] =	ssyncadd.s32 $0xFFFFF000  }
0x29: {  	[hbm4b:s9+s3] =	stream.linear.scatter [tilespmem:s7], [sflag:$0x2], $0x1000, $0x38;
	[tilespmem:$0x1080] =	vst v63  }
0x2a: {  	_ =	swait.ge [sflag:s4], $0x1000  }
.LBB2_2:
0x2b: {  	[sflag:s4] =	ssyncset.done $0x0  }
0x2c: {  	[sflag:s4] =	ssyncadd.s32 $0xFFFFF000  }
0x2d: {  	_ =	sfence.sel $0x180000  }
0x2e: {  	[bflag:$0x0] =	sbarrier.arrive $0xFFFF  }
0x2f: {  	p0 =	sne.s32 s0, $0x0;
	_ =	strace $0x90000047  }
0x30: {  	s0 =	sadd.s32 @!p0 $0x100000, s1;
	[bflag:$0x2] =	sbarrier.arrive $0xFFFF  }
0x31: {  	[sflag:s0] =	ssyncadd.tile.s32 @!p0 $0x1;
	_ =	shalt  }
.Lfunc_end2:
_tile_overlayer_lowered:
.L_overlay_start_2:
0x32: {  	(tag) =	ssettag $0x2  }
0x33: {  	s0 =	rddreg [dreg:$0x0];
	s2 =	stileid.u32  }
0x34: {  	s1 =	rddreg [dreg:$0x1];
	p0 =	sne.s32 s2, $0x0  }
0x35: {  	s3 =	rddreg [dreg:$0x2];
	[bflag:$0x3] =	sbarrier.arrive $0xFFFF;
	s2 =	simm.s32 @!p0 $0x1C02  }
0x36: {  	[timem:s3], [sflag:s2] =	dma.local @!p0 [hbm:s0], s1  }
0x37: {  	s0 =	simm.s32 @!p0 $0x2  }
0x38: {  	_ =	swait.ge @!p0 [sflag:s0], s1  }
0x39: {  	s1 =	ssub.s32 @!p0 $0x0, s1;
	[sflag:s0] =	ssyncset.done @!p0 $0x0  }
0x3a: {  	[sflag:s0] =	ssyncadd.s32 @!p0 s1  }
0x3b: {  	[bflag:$0x3] =	sbarrier.arrive $0xFFFF  }
0x3c: {  	_ =	shalt  }

</sc_bundles>
